<compile_context>
chip_gen: v7x
topology: tpu7x:2x2x1
jax: 0.10.2.dev20260603
libtpu: 0.0.44.dev20260713+nightly
codegen_flags: <defaults>
</compile_context>

<pallas_src>
import functools

import jax
import jax.numpy as jnp
from jax import lax
from jax.experimental import pallas as pl
from jax.experimental.pallas import tpu as pltpu
from jax.experimental.pallas import tpu_sc as plsc

_NUM_CORES = 2
_NUM_SUBCORES = 16
_NUM_WORKERS = _NUM_CORES * _NUM_SUBCORES

_CHUNK = 8
_SLOTS = 6


def _embed(ids, table):
    BATCH, SEQ = ids.shape
    V, D = table.shape
    B = BATCH * SEQ
    b_per_w = B // _NUM_WORKERS
    n_chunks = b_per_w // _CHUNK

    mesh = plsc.VectorSubcoreMesh(core_axis_name="c", subcore_axis_name="s")

    @functools.partial(
        pl.kernel,
        mesh=mesh,
        out_type=jax.ShapeDtypeStruct((BATCH, SEQ, D), jnp.float32),
        scratch_types=[
            pltpu.VMEM((b_per_w,), jnp.int32),
            pltpu.VMEM((_SLOTS * _CHUNK, D), jnp.float32),
            pltpu.SemaphoreType.DMA,
            pltpu.SemaphoreType.DMA,
        ],
    )
    def body(ids_hbm, table_hbm, out_hbm, idx_v, bufs, gsem, wsem):
        wid = lax.axis_index("s") * _NUM_CORES + lax.axis_index("c")
        base = wid * b_per_w
        b = base // SEQ
        col = base - b * SEQ
        pltpu.sync_copy(ids_hbm.at[b, pl.ds(col, b_per_w)], idx_v)

        def idx_at(c):
            return idx_v.at[pl.ds(c * _CHUNK, _CHUNK)]

        def buf_at(c):
            return bufs.at[pl.ds(lax.rem(c, _SLOTS) * _CHUNK, _CHUNK)]

        def pair_buf_at(p):
            return bufs.at[pl.ds(lax.rem(2 * p, _SLOTS) * _CHUNK, 2 * _CHUNK)]

        def pair_out_at(p):
            return out_hbm.at[b, pl.ds(col + p * 2 * _CHUNK, 2 * _CHUNK)]

        def gather_start(c):
            pltpu.async_copy(table_hbm.at[idx_at(c)], buf_at(c), gsem)

        def gather_wait(c):
            pltpu.make_async_copy(table_hbm.at[idx_at(c)], buf_at(c), gsem).wait()

        def write_start(p):
            pltpu.async_copy(pair_buf_at(p), pair_out_at(p), wsem)

        def write_wait(p):
            pltpu.make_async_copy(pair_buf_at(p), pair_out_at(p), wsem).wait()

        n_pairs = n_chunks // 2
        gather_start(0)
        gather_start(1)

        def step(p, carry):
            @pl.when(p >= 2)
            def _():
                write_wait(p - 2)

            c = 2 * p

            @pl.when(c + 2 < n_chunks)
            def _():
                gather_start(c + 2)

            @pl.when(c + 3 < n_chunks)
            def _():
                gather_start(c + 3)

            gather_wait(c)
            gather_wait(c + 1)
            write_start(p)
            return carry

        lax.fori_loop(0, n_pairs, step, 0, unroll=False)
        write_wait(n_pairs - 2)
        write_wait(n_pairs - 1)

    return body(ids, table)


def kernel(input_ids, table):
    return _embed(input_ids.astype(jnp.int32), table)

# --- scband reference (transcript-rebuilt; emitter-appended) ---
"""Pipeline reference for scband-embedding-4767413699207 (READ-ONLY COPY).

The authoritative reference and input builder live on the scoring server;
editing this copy changes nothing except your own understanding.
"""

import jax, jax.numpy as jnp
import numpy as np

NUM_EMBEDDINGS = 100000
EMBED_DIM = 2048
BATCH = 2
SEQ = 4096

def setup_inputs(seed: int = 0) -> dict:
    key = jax.random.key(seed)
    k_idx, k_tab = jax.random.split(key)
    input_ids = jax.random.randint(k_idx, (BATCH, SEQ), 0, NUM_EMBEDDINGS, dtype=jnp.int64 if jax.config.read('jax_enable_x64') else jnp.int32)
    table = jax.random.normal(k_tab, (NUM_EMBEDDINGS, EMBED_DIM), dtype=jnp.float32) * 0.02
    return {"input_ids": input_ids, "table": table}

def reference(input_ids, table):
    # nn.Embedding forward: gather rows of the embedding table by token id
    hidden_states = jnp.take(table, input_ids, axis=0)
    return hidden_states

if __name__ == "__main__":
    import jax
    _d = setup_inputs()
    print(jax.jit(kernel)(*tuple(_d.values())))

</pallas_src>

<mosaic_0001>
#map = affine_map<(d0, d1) -> (0, 0)>
#map1 = affine_map<(d0, d1) -> (0, 0, 0)>
module attributes {stable_mosaic.version = 14 : i64} {
  func.func @body(%arg0: i32, %arg1: i32, %arg2: memref<2x4096xi32, #tpu.memory_space<hbm>>, %arg3: memref<100000x2048xf32, #tpu.memory_space<hbm>>, %arg4: memref<2x4096x2048xf32, #tpu.memory_space<hbm>>, %arg5: memref<256xi32, #tpu.memory_space<vmem>>, %arg6: memref<48x2048xf32, #tpu.memory_space<vmem>>, %arg7: memref<!tpu.dma_semaphore, #tpu.memory_space<semaphore_mem>>, %arg8: memref<!tpu.dma_semaphore, #tpu.memory_space<semaphore_mem>>) attributes {dimension_semantics = [#tpu.dimension_semantics<core_parallel>, #tpu.dimension_semantics<subcore_parallel>], iteration_bounds = array<i64: 2, 16>, scalar_prefetch = 0 : i64, scratch_operands = 4 : i64, tpu.core_type = #tpu.core_type<sc_vector_subcore>, window_params = [{transform_indices = #map}, {transform_indices = #map}, {transform_indices = #map1}]} {
    %mul3A = arith.constant 2 : i32
    %mul3A_0 = arith.muli %arg1, %mul3A : i32
    %add3A = arith.addi %mul3A_0, %arg0 : i32
    %mul3A_1 = arith.constant 256 : i32
    %mul3A_2 = arith.muli %add3A, %mul3A_1 : i32
    %jit3A = arith.constant 4096 : i32
    %div3A = arith.divsi %mul3A_2, %jit3A : i32
    %sign3A = arith.constant 0 : i32
    %sign3A_3 = arith.cmpi sgt, %mul3A_2, %sign3A : i32
    %sign3A_4 = arith.extui %sign3A_3 : i1 to i32
    %sign3A_5 = arith.constant 0 : i32
    %sign3A_6 = arith.cmpi slt, %mul3A_2, %sign3A_5 : i32
    %sign3A_7 = arith.extui %sign3A_6 : i1 to i32
    %sign3A_8 = arith.subi %sign3A_4, %sign3A_7 : i32
    %sign3A_9 = arith.constant 0 : i32
    %sign3A_10 = arith.cmpi sgt, %jit3A, %sign3A_9 : i32
    %sign3A_11 = arith.extui %sign3A_10 : i1 to i32
    %sign3A_12 = arith.constant 0 : i32
    %sign3A_13 = arith.cmpi slt, %jit3A, %sign3A_12 : i32
    %sign3A_14 = arith.extui %sign3A_13 : i1 to i32
    %sign3A_15 = arith.subi %sign3A_11, %sign3A_14 : i32
    %ne3A = arith.cmpi ne, %sign3A_8, %sign3A_15 : i32
    %rem3A = arith.remsi %mul3A_2, %jit3A : i32
    %ne3A_16 = arith.constant 0 : i32
    %ne3A_17 = arith.cmpi ne, %rem3A, %ne3A_16 : i32
    %and3A = arith.andi %ne3A, %ne3A_17 : i1
    %sub3A = arith.constant 1 : i32
    %sub3A_18 = arith.subi %div3A, %sub3A : i32
    %select_n3A = arith.select %and3A, %sub3A_18, %div3A : i32
    %mul3A_19 = arith.constant 4096 : i32
    %mul3A_20 = arith.muli %select_n3A, %mul3A_19 : i32
    %sub3A_21 = arith.subi %mul3A_2, %mul3A_20 : i32
    "tpu.region"() ({
      %run_scoped3A = tpu.sem_alloc : memref<!tpu.dma_semaphore, #tpu.memory_space<semaphore_mem>>
      %dma_start3A_83 = tpu.memref_slice %arg2[%select_n3A, %sub3A_21] : memref<2x4096xi32, #tpu.memory_space<hbm>> -> memref<1x256xi32, #tpu.memory_space<hbm>>
      %dma_start3A_84 = tpu.memref_squeeze %dma_start3A_83 : memref<1x256xi32, #tpu.memory_space<hbm>> -> memref<256xi32, #tpu.memory_space<hbm>>
      %dma_start3A_85 = tpu.memref_slice %arg2[%select_n3A, %sub3A_21] : memref<2x4096xi32, #tpu.memory_space<hbm>> -> memref<1x256xi32, #tpu.memory_space<hbm>>
      %dma_start3A_86 = tpu.memref_squeeze %dma_start3A_85 : memref<1x256xi32, #tpu.memory_space<hbm>> -> memref<256xi32, #tpu.memory_space<hbm>>
      tpu.enqueue_dma source(%dma_start3A_86 : memref<256xi32, #tpu.memory_space<hbm>>) target(%arg5 : memref<256xi32, #tpu.memory_space<vmem>>) target_semaphore(%run_scoped3A : memref<!tpu.dma_semaphore, #tpu.memory_space<semaphore_mem>>)
      %dma_wait3A_87 = tpu.memref_slice %arg2[%select_n3A, %sub3A_21] : memref<2x4096xi32, #tpu.memory_space<hbm>> -> memref<1x256xi32, #tpu.memory_space<hbm>>
      %dma_wait3A_88 = tpu.memref_squeeze %dma_wait3A_87 : memref<1x256xi32, #tpu.memory_space<hbm>> -> memref<256xi32, #tpu.memory_space<hbm>>
      %dma_wait3A_89 = tpu.memref_slice %arg2[%select_n3A, %sub3A_21] : memref<2x4096xi32, #tpu.memory_space<hbm>> -> memref<1x256xi32, #tpu.memory_space<hbm>>
      %dma_wait3A_90 = tpu.memref_squeeze %dma_wait3A_89 : memref<1x256xi32, #tpu.memory_space<hbm>> -> memref<256xi32, #tpu.memory_space<hbm>>
      tpu.wait_dma2 semaphore(%run_scoped3A : memref<!tpu.dma_semaphore, #tpu.memory_space<semaphore_mem>>) src(%dma_wait3A_90 : memref<256xi32, #tpu.memory_space<hbm>>) dst(%arg5 : memref<256xi32, #tpu.memory_space<vmem>>)
      tpu.yield
    }) : () -> ()
    %rem3A_22 = arith.constant 0 : i32
    %rem3A_23 = arith.constant 6 : i32
    %rem3A_24 = arith.remsi %rem3A_22, %rem3A_23 : i32
    %mul3A_25 = arith.constant 8 : i32
    %mul3A_26 = arith.muli %rem3A_24, %mul3A_25 : i32
    %dma_start3A = arith.constant 0 : i32
    %dma_start3A_27 = tpu.memref_slice %arg6[%mul3A_26, %dma_start3A] : memref<48x2048xf32, #tpu.memory_space<vmem>> -> memref<8x2048xf32, #tpu.memory_space<vmem>>
    %dma_start3A_28 = arith.constant 0 : i32
    %dma_start3A_29 = tpu.memref_slice %arg5[%dma_start3A_28] : memref<256xi32, #tpu.memory_space<vmem>> -> memref<8xi32, #tpu.memory_space<vmem>>
    %dma_start3A_30 = arith.constant 0 : i32
    %dma_start3A_31 = arith.constant 0 : i32
    %dma_start3A_32 = tpu.memref_slice %arg3[%dma_start3A_30, %dma_start3A_31] : memref<100000x2048xf32, #tpu.memory_space<hbm>> -> memref<100000x2048xf32, #tpu.memory_space<hbm>>
    tpu.enqueue_indirect_dma source(%dma_start3A_32 : memref<100000x2048xf32, #tpu.memory_space<hbm>>) target(%dma_start3A_27 : memref<8x2048xf32, #tpu.memory_space<vmem>>) offsets(%dma_start3A_29 : memref<8xi32, #tpu.memory_space<vmem>>) semaphore(%arg7 : memref<!tpu.dma_semaphore, #tpu.memory_space<semaphore_mem>>)
    %rem3A_33 = arith.constant 1 : i32
    %rem3A_34 = arith.constant 6 : i32
    %rem3A_35 = arith.remsi %rem3A_33, %rem3A_34 : i32
    %mul3A_36 = arith.constant 8 : i32
    %mul3A_37 = arith.muli %rem3A_35, %mul3A_36 : i32
    %dma_start3A_38 = arith.constant 0 : i32
    %dma_start3A_39 = tpu.memref_slice %arg6[%mul3A_37, %dma_start3A_38] : memref<48x2048xf32, #tpu.memory_space<vmem>> -> memref<8x2048xf32, #tpu.memory_space<vmem>>
    %dma_start3A_40 = arith.constant 8 : i32
    %dma_start3A_41 = tpu.memref_slice %arg5[%dma_start3A_40] : memref<256xi32, #tpu.memory_space<vmem>> -> memref<8xi32, #tpu.memory_space<vmem>>
    %dma_start3A_42 = arith.constant 0 : i32
    %dma_start3A_43 = arith.constant 0 : i32
    %dma_start3A_44 = tpu.memref_slice %arg3[%dma_start3A_42, %dma_start3A_43] : memref<100000x2048xf32, #tpu.memory_space<hbm>> -> memref<100000x2048xf32, #tpu.memory_space<hbm>>
    tpu.enqueue_indirect_dma source(%dma_start3A_44 : memref<100000x2048xf32, #tpu.memory_space<hbm>>) target(%dma_start3A_39 : memref<8x2048xf32, #tpu.memory_space<vmem>>) offsets(%dma_start3A_41 : memref<8xi32, #tpu.memory_space<vmem>>) semaphore(%arg7 : memref<!tpu.dma_semaphore, #tpu.memory_space<semaphore_mem>>)
    %scan3A = arith.constant 0 : i32
    %scan3A_45 = arith.constant 0 : i32
    %scan3A_46 = arith.constant 16 : i32
    %scan3A_47 = arith.addi %scan3A_45, %scan3A_46 : i32
    %scan3A_48 = arith.constant 1 : i32
    scf.for %scan3A_83 = %scan3A_45 to %scan3A_47 step %scan3A_48  : i32 {
      %ge3A = arith.constant 2 : i32
      %ge3A_84 = arith.cmpi sge, %scan3A_83, %ge3A : i32
      %convert_element_type3A = arith.extui %ge3A_84 : i1 to i32
      %cond3A = arith.constant 0 : i32
      %cond3A_85 = arith.cmpi ne, %convert_element_type3A, %cond3A : i32
      scf.if %cond3A_85 {
        %sub3A_148 = arith.constant 2 : i32
        %sub3A_149 = arith.subi %scan3A_83, %sub3A_148 : i32
        %mul3A_150 = arith.constant 2 : i32
        %mul3A_151 = arith.muli %mul3A_150, %sub3A_149 : i32
        %rem3A_152 = arith.constant 6 : i32
        %rem3A_153 = arith.remsi %mul3A_151, %rem3A_152 : i32
        %mul3A_154 = arith.constant 8 : i32
        %mul3A_155 = arith.muli %rem3A_153, %mul3A_154 : i32
        %mul3A_156 = arith.constant 2 : i32
        %mul3A_157 = arith.muli %sub3A_149, %mul3A_156 : i32
        %mul3A_158 = arith.constant 8 : i32
        %mul3A_159 = arith.muli %mul3A_157, %mul3A_158 : i32
        %add3A_160 = arith.addi %sub3A_21, %mul3A_159 : i32
        %dma_wait3A_161 = arith.constant 0 : i32
        %dma_wait3A_162 = tpu.memref_slice %arg6[%mul3A_155, %dma_wait3A_161] : memref<48x2048xf32, #tpu.memory_space<vmem>> -> memref<16x2048xf32, #tpu.memory_space<vmem>>
        %dma_wait3A_163 = arith.constant 0 : i32
        %dma_wait3A_164 = tpu.memref_slice %arg4[%select_n3A, %add3A_160, %dma_wait3A_163] : memref<2x4096x2048xf32, #tpu.memory_space<hbm>> -> memref<1x16x2048xf32, #tpu.memory_space<hbm>>
        %dma_wait3A_165 = tpu.memref_squeeze %dma_wait3A_164 : memref<1x16x2048xf32, #tpu.memory_space<hbm>> -> memref<16x2048xf32, #tpu.memory_space<hbm>>
        %dma_wait3A_166 = arith.constant 0 : i32
        %dma_wait3A_167 = tpu.memref_slice %arg4[%select_n3A, %add3A_160, %dma_wait3A_166] : memref<2x4096x2048xf32, #tpu.memory_space<hbm>> -> memref<1x16x2048xf32, #tpu.memory_space<hbm>>
        %dma_wait3A_168 = tpu.memref_squeeze %dma_wait3A_167 : memref<1x16x2048xf32, #tpu.memory_space<hbm>> -> memref<16x2048xf32, #tpu.memory_space<hbm>>
        %dma_wait3A_169 = arith.constant 0 : i32
        %dma_wait3A_170 = tpu.memref_slice %arg6[%mul3A_155, %dma_wait3A_169] : memref<48x2048xf32, #tpu.memory_space<vmem>> -> memref<16x2048xf32, #tpu.memory_space<vmem>>
        tpu.wait_dma2 semaphore(%arg8 : memref<!tpu.dma_semaphore, #tpu.memory_space<semaphore_mem>>) src(%dma_wait3A_170 : memref<16x2048xf32, #tpu.memory_space<vmem>>) dst(%dma_wait3A_168 : memref<16x2048xf32, #tpu.memory_space<hbm>>)
      } else {
      }
      %mul3A_86 = arith.constant 2 : i32
      %mul3A_87 = arith.muli %mul3A_86, %scan3A_83 : i32
      %add3A_88 = arith.constant 2 : i32
      %add3A_89 = arith.addi %mul3A_87, %add3A_88 : i32
      %lt3A = arith.constant 32 : i32
      %lt3A_90 = arith.cmpi slt, %add3A_89, %lt3A : i32
      %convert_element_type3A_91 = arith.extui %lt3A_90 : i1 to i32
      %cond3A_92 = arith.constant 0 : i32
      %cond3A_93 = arith.cmpi ne, %convert_element_type3A_91, %cond3A_92 : i32
      scf.if %cond3A_93 {
        %add3A_148 = arith.constant 2 : i32
        %add3A_149 = arith.addi %mul3A_87, %add3A_148 : i32
        %mul3A_150 = arith.constant 8 : i32
        %mul3A_151 = arith.muli %add3A_149, %mul3A_150 : i32
        %rem3A_152 = arith.constant 6 : i32
        %rem3A_153 = arith.remsi %add3A_149, %rem3A_152 : i32
        %mul3A_154 = arith.constant 8 : i32
        %mul3A_155 = arith.muli %rem3A_153, %mul3A_154 : i32
        %dma_start3A_156 = arith.constant 0 : i32
        %dma_start3A_157 = tpu.memref_slice %arg6[%mul3A_155, %dma_start3A_156] : memref<48x2048xf32, #tpu.memory_space<vmem>> -> memref<8x2048xf32, #tpu.memory_space<vmem>>
        %dma_start3A_158 = tpu.memref_slice %arg5[%mul3A_151] : memref<256xi32, #tpu.memory_space<vmem>> -> memref<8xi32, #tpu.memory_space<vmem>>
        %dma_start3A_159 = arith.constant 0 : i32
        %dma_start3A_160 = arith.constant 0 : i32
        %dma_start3A_161 = tpu.memref_slice %arg3[%dma_start3A_159, %dma_start3A_160] : memref<100000x2048xf32, #tpu.memory_space<hbm>> -> memref<100000x2048xf32, #tpu.memory_space<hbm>>
        tpu.enqueue_indirect_dma source(%dma_start3A_161 : memref<100000x2048xf32, #tpu.memory_space<hbm>>) target(%dma_start3A_157 : memref<8x2048xf32, #tpu.memory_space<vmem>>) offsets(%dma_start3A_158 : memref<8xi32, #tpu.memory_space<vmem>>) semaphore(%arg7 : memref<!tpu.dma_semaphore, #tpu.memory_space<semaphore_mem>>)
      } else {
      }
      %add3A_94 = arith.constant 3 : i32
      %add3A_95 = arith.addi %mul3A_87, %add3A_94 : i32
      %lt3A_96 = arith.constant 32 : i32
      %lt3A_97 = arith.cmpi slt, %add3A_95, %lt3A_96 : i32
      %convert_element_type3A_98 = arith.extui %lt3A_97 : i1 to i32
      %cond3A_99 = arith.constant 0 : i32
      %cond3A_100 = arith.cmpi ne, %convert_element_type3A_98, %cond3A_99 : i32
      scf.if %cond3A_100 {
        %add3A_148 = arith.constant 3 : i32
        %add3A_149 = arith.addi %mul3A_87, %add3A_148 : i32
        %mul3A_150 = arith.constant 8 : i32
        %mul3A_151 = arith.muli %add3A_149, %mul3A_150 : i32
        %rem3A_152 = arith.constant 6 : i32
        %rem3A_153 = arith.remsi %add3A_149, %rem3A_152 : i32
        %mul3A_154 = arith.constant 8 : i32
        %mul3A_155 = arith.muli %rem3A_153, %mul3A_154 : i32
        %dma_start3A_156 = arith.constant 0 : i32
        %dma_start3A_157 = tpu.memref_slice %arg6[%mul3A_155, %dma_start3A_156] : memref<48x2048xf32, #tpu.memory_space<vmem>> -> memref<8x2048xf32, #tpu.memory_space<vmem>>
        %dma_start3A_158 = tpu.memref_slice %arg5[%mul3A_151] : memref<256xi32, #tpu.memory_space<vmem>> -> memref<8xi32, #tpu.memory_space<vmem>>
        %dma_start3A_159 = arith.constant 0 : i32
        %dma_start3A_160 = arith.constant 0 : i32
        %dma_start3A_161 = tpu.memref_slice %arg3[%dma_start3A_159, %dma_start3A_160] : memref<100000x2048xf32, #tpu.memory_space<hbm>> -> memref<100000x2048xf32, #tpu.memory_space<hbm>>
        tpu.enqueue_indirect_dma source(%dma_start3A_161 : memref<100000x2048xf32, #tpu.memory_space<hbm>>) target(%dma_start3A_157 : memref<8x2048xf32, #tpu.memory_space<vmem>>) offsets(%dma_start3A_158 : memref<8xi32, #tpu.memory_space<vmem>>) semaphore(%arg7 : memref<!tpu.dma_semaphore, #tpu.memory_space<semaphore_mem>>)
      } else {
      }
      %mul3A_101 = arith.constant 8 : i32
      %mul3A_102 = arith.muli %mul3A_87, %mul3A_101 : i32
      %rem3A_103 = arith.constant 6 : i32
      %rem3A_104 = arith.remsi %mul3A_87, %rem3A_103 : i32
      %mul3A_105 = arith.constant 8 : i32
      %mul3A_106 = arith.muli %rem3A_104, %mul3A_105 : i32
      %dma_wait3A_107 = arith.constant 0 : i32
      %dma_wait3A_108 = tpu.memref_slice %arg6[%mul3A_106, %dma_wait3A_107] : memref<48x2048xf32, #tpu.memory_space<vmem>> -> memref<8x2048xf32, #tpu.memory_space<vmem>>
      %dma_wait3A_109 = tpu.memref_slice %arg5[%mul3A_102] : memref<256xi32, #tpu.memory_space<vmem>> -> memref<8xi32, #tpu.memory_space<vmem>>
      %dma_wait3A_110 = arith.constant 0 : i32
      %dma_wait3A_111 = arith.constant 0 : i32
      %dma_wait3A_112 = tpu.memref_slice %arg3[%dma_wait3A_110, %dma_wait3A_111] : memref<100000x2048xf32, #tpu.memory_space<hbm>> -> memref<100000x2048xf32, #tpu.memory_space<hbm>>
      tpu.wait_indirect_dma semaphore(%arg7 : memref<!tpu.dma_semaphore, #tpu.memory_space<semaphore_mem>>) src(%dma_wait3A_112 : memref<100000x2048xf32, #tpu.memory_space<hbm>>) dst(%dma_wait3A_108 : memref<8x2048xf32, #tpu.memory_space<vmem>>)
      %add3A_113 = arith.constant 1 : i32
      %add3A_114 = arith.addi %mul3A_87, %add3A_113 : i32
      %mul3A_115 = arith.constant 8 : i32
      %mul3A_116 = arith.muli %add3A_114, %mul3A_115 : i32
      %rem3A_117 = arith.constant 6 : i32
      %rem3A_118 = arith.remsi %add3A_114, %rem3A_117 : i32
      %mul3A_119 = arith.constant 8 : i32
      %mul3A_120 = arith.muli %rem3A_118, %mul3A_119 : i32
      %dma_wait3A_121 = arith.constant 0 : i32
      %dma_wait3A_122 = tpu.memref_slice %arg6[%mul3A_120, %dma_wait3A_121] : memref<48x2048xf32, #tpu.memory_space<vmem>> -> memref<8x2048xf32, #tpu.memory_space<vmem>>
      %dma_wait3A_123 = tpu.memref_slice %arg5[%mul3A_116] : memref<256xi32, #tpu.memory_space<vmem>> -> memref<8xi32, #tpu.memory_space<vmem>>
      %dma_wait3A_124 = arith.constant 0 : i32
      %dma_wait3A_125 = arith.constant 0 : i32
      %dma_wait3A_126 = tpu.memref_slice %arg3[%dma_wait3A_124, %dma_wait3A_125] : memref<100000x2048xf32, #tpu.memory_space<hbm>> -> memref<100000x2048xf32, #tpu.memory_space<hbm>>
      tpu.wait_indirect_dma semaphore(%arg7 : memref<!tpu.dma_semaphore, #tpu.memory_space<semaphore_mem>>) src(%dma_wait3A_126 : memref<100000x2048xf32, #tpu.memory_space<hbm>>) dst(%dma_wait3A_122 : memref<8x2048xf32, #tpu.memory_space<vmem>>)
      %mul3A_127 = arith.constant 2 : i32
      %mul3A_128 = arith.muli %mul3A_127, %scan3A_83 : i32
      %rem3A_129 = arith.constant 6 : i32
      %rem3A_130 = arith.remsi %mul3A_128, %rem3A_129 : i32
      %mul3A_131 = arith.constant 8 : i32
      %mul3A_132 = arith.muli %rem3A_130, %mul3A_131 : i32
      %mul3A_133 = arith.constant 2 : i32
      %mul3A_134 = arith.muli %scan3A_83, %mul3A_133 : i32
      %mul3A_135 = arith.constant 8 : i32
      %mul3A_136 = arith.muli %mul3A_134, %mul3A_135 : i32
      %add3A_137 = arith.addi %sub3A_21, %mul3A_136 : i32
      %dma_start3A_138 = arith.constant 0 : i32
      %dma_start3A_139 = tpu.memref_slice %arg6[%mul3A_132, %dma_start3A_138] : memref<48x2048xf32, #tpu.memory_space<vmem>> -> memref<16x2048xf32, #tpu.memory_space<vmem>>
      %dma_start3A_140 = arith.constant 0 : i32
      %dma_start3A_141 = tpu.memref_slice %arg4[%select_n3A, %add3A_137, %dma_start3A_140] : memref<2x4096x2048xf32, #tpu.memory_space<hbm>> -> memref<1x16x2048xf32, #tpu.memory_space<hbm>>
      %dma_start3A_142 = tpu.memref_squeeze %dma_start3A_141 : memref<1x16x2048xf32, #tpu.memory_space<hbm>> -> memref<16x2048xf32, #tpu.memory_space<hbm>>
      %dma_start3A_143 = arith.constant 0 : i32
      %dma_start3A_144 = tpu.memref_slice %arg4[%select_n3A, %add3A_137, %dma_start3A_143] : memref<2x4096x2048xf32, #tpu.memory_space<hbm>> -> memref<1x16x2048xf32, #tpu.memory_space<hbm>>
      %dma_start3A_145 = tpu.memref_squeeze %dma_start3A_144 : memref<1x16x2048xf32, #tpu.memory_space<hbm>> -> memref<16x2048xf32, #tpu.memory_space<hbm>>
      %dma_start3A_146 = arith.constant 0 : i32
      %dma_start3A_147 = tpu.memref_slice %arg6[%mul3A_132, %dma_start3A_146] : memref<48x2048xf32, #tpu.memory_space<vmem>> -> memref<16x2048xf32, #tpu.memory_space<vmem>>
      tpu.enqueue_dma source(%dma_start3A_147 : memref<16x2048xf32, #tpu.memory_space<vmem>>) target(%dma_start3A_145 : memref<16x2048xf32, #tpu.memory_space<hbm>>) target_semaphore(%arg8 : memref<!tpu.dma_semaphore, #tpu.memory_space<semaphore_mem>>)
    }
    %scan3A_49 = arith.constant 16 : i32
    %rem3A_50 = arith.constant 28 : i32
    %rem3A_51 = arith.constant 6 : i32
    %rem3A_52 = arith.remsi %rem3A_50, %rem3A_51 : i32
    %mul3A_53 = arith.constant 8 : i32
    %mul3A_54 = arith.muli %rem3A_52, %mul3A_53 : i32
    %add3A_55 = arith.constant 224 : i32
    %add3A_56 = arith.addi %sub3A_21, %add3A_55 : i32
    %dma_wait3A = arith.constant 0 : i32
    %dma_wait3A_57 = tpu.memref_slice %arg6[%mul3A_54, %dma_wait3A] : memref<48x2048xf32, #tpu.memory_space<vmem>> -> memref<16x2048xf32, #tpu.memory_space<vmem>>
    %dma_wait3A_58 = arith.constant 0 : i32
    %dma_wait3A_59 = tpu.memref_slice %arg4[%select_n3A, %add3A_56, %dma_wait3A_58] : memref<2x4096x2048xf32, #tpu.memory_space<hbm>> -> memref<1x16x2048xf32, #tpu.memory_space<hbm>>
    %dma_wait3A_60 = tpu.memref_squeeze %dma_wait3A_59 : memref<1x16x2048xf32, #tpu.memory_space<hbm>> -> memref<16x2048xf32, #tpu.memory_space<hbm>>
    %dma_wait3A_61 = arith.constant 0 : i32
    %dma_wait3A_62 = tpu.memref_slice %arg4[%select_n3A, %add3A_56, %dma_wait3A_61] : memref<2x4096x2048xf32, #tpu.memory_space<hbm>> -> memref<1x16x2048xf32, #tpu.memory_space<hbm>>
    %dma_wait3A_63 = tpu.memref_squeeze %dma_wait3A_62 : memref<1x16x2048xf32, #tpu.memory_space<hbm>> -> memref<16x2048xf32, #tpu.memory_space<hbm>>
    %dma_wait3A_64 = arith.constant 0 : i32
    %dma_wait3A_65 = tpu.memref_slice %arg6[%mul3A_54, %dma_wait3A_64] : memref<48x2048xf32, #tpu.memory_space<vmem>> -> memref<16x2048xf32, #tpu.memory_space<vmem>>
    tpu.wait_dma2 semaphore(%arg8 : memref<!tpu.dma_semaphore, #tpu.memory_space<semaphore_mem>>) src(%dma_wait3A_65 : memref<16x2048xf32, #tpu.memory_space<vmem>>) dst(%dma_wait3A_63 : memref<16x2048xf32, #tpu.memory_space<hbm>>)
    %rem3A_66 = arith.constant 30 : i32
    %rem3A_67 = arith.constant 6 : i32
    %rem3A_68 = arith.remsi %rem3A_66, %rem3A_67 : i32
    %mul3A_69 = arith.constant 8 : i32
    %mul3A_70 = arith.muli %rem3A_68, %mul3A_69 : i32
    %add3A_71 = arith.constant 240 : i32
    %add3A_72 = arith.addi %sub3A_21, %add3A_71 : i32
    %dma_wait3A_73 = arith.constant 0 : i32
    %dma_wait3A_74 = tpu.memref_slice %arg6[%mul3A_70, %dma_wait3A_73] : memref<48x2048xf32, #tpu.memory_space<vmem>> -> memref<16x2048xf32, #tpu.memory_space<vmem>>
    %dma_wait3A_75 = arith.constant 0 : i32
    %dma_wait3A_76 = tpu.memref_slice %arg4[%select_n3A, %add3A_72, %dma_wait3A_75] : memref<2x4096x2048xf32, #tpu.memory_space<hbm>> -> memref<1x16x2048xf32, #tpu.memory_space<hbm>>
    %dma_wait3A_77 = tpu.memref_squeeze %dma_wait3A_76 : memref<1x16x2048xf32, #tpu.memory_space<hbm>> -> memref<16x2048xf32, #tpu.memory_space<hbm>>
    %dma_wait3A_78 = arith.constant 0 : i32
    %dma_wait3A_79 = tpu.memref_slice %arg4[%select_n3A, %add3A_72, %dma_wait3A_78] : memref<2x4096x2048xf32, #tpu.memory_space<hbm>> -> memref<1x16x2048xf32, #tpu.memory_space<hbm>>
    %dma_wait3A_80 = tpu.memref_squeeze %dma_wait3A_79 : memref<1x16x2048xf32, #tpu.memory_space<hbm>> -> memref<16x2048xf32, #tpu.memory_space<hbm>>
    %dma_wait3A_81 = arith.constant 0 : i32
    %dma_wait3A_82 = tpu.memref_slice %arg6[%mul3A_70, %dma_wait3A_81] : memref<48x2048xf32, #tpu.memory_space<vmem>> -> memref<16x2048xf32, #tpu.memory_space<vmem>>
    tpu.wait_dma2 semaphore(%arg8 : memref<!tpu.dma_semaphore, #tpu.memory_space<semaphore_mem>>) src(%dma_wait3A_82 : memref<16x2048xf32, #tpu.memory_space<vmem>>) dst(%dma_wait3A_80 : memref<16x2048xf32, #tpu.memory_space<hbm>>)
    return
  }
}

</mosaic_0001>

<sc_bundles>
// kernel: kernel.3.cloned.1.call-start
scs
__scs_entry_jumppad:
0x0: {  	(pc) =	sbr.rel $0x88, $3  }
0x1: {  	(tag) =	ssettag $0x0;
	lr =	simm.s32 $0x1  }
0x2: {  	[smem:$0x3F9F] =	sst lr;
	_ =	strace $0xD0000000  }
0x3: {  	_ = 	snop  }
0x4: {  	_ = 	snop  }
0x5: {  	_ = 	snop  }
0x6: {  	_ = 	snop  }
0x7: {  	_ = 	snop  }
__scs_overlays_trampoline_lowered:
0x8: {  	[smem:$0x3FAE] =	sst s0  }
0x9: {  	[smem:$0x3FAF] =	sst s1  }
0xa: {  	[smem:$0x3FB0] =	sst s2  }
0xb: {  	[smem:$0x3FB1] =	sst s3  }
0xc: {  	[smem:$0x3FB2] =	sst s4  }
0xd: {  	[smem:$0x3FB3] =	sst s5  }
0xe: {  	[smem:$0x3FB4] =	sst s6  }
0xf: {  	[smem:$0x3FB5] =	sst s7  }
0x10: {  	[smem:$0x3FB6] =	sst s8  }
0x11: {  	[smem:$0x3FB7] =	sst s9;
	s0 =	simm.s32 @!p0 $0x0  }
0x12: {  	s1 =	sld [smem:$0x3F9D];
	s0 =	simm.s32 @p0 $0x1  }
0x13: {  	[smem:$0x3FB8] =	sst s0;
	s0 =	simm.s32 @!p1 $0x0  }
0x14: {  	s2 =	sld [smem:$0x3F9C];
	s0 =	simm.s32 @p1 $0x1  }
0x15: {  	[smem:$0x3FB9] =	sst s0;
	s0 =	simm.s32 @!p2 $0x0  }
0x16: {  	s3 =	sld [smem:$0x3FDB];
	s0 =	simm.s32 @p2 $0x1  }
0x17: {  	s4 =	simm.s32 $0x1BF5;
	[smem:$0x3FBB] =	sst s0  }
0x18: {  	s0 =	sld [smem:$0x3F9E];
	_ =	swait.ge [sflag:s4], $0x0  }
0x19: {  	s7 =	sld [smem:$0x3F9F]  }
0x1a: {  	s8 =	sadd.s32 $0xFFFFE003, lr  }
0x1b: {  	s9 =	sadd.s32 $0xFFFFFEF7, lr;
	s5 =	simm.s32 $0xFFFFFFFF;
	p2 =	slt.u32 s8, $0xFFFFF086  }
0x1c: {  	p1 =	slt.u32 s9, $0xF7A;
	s5 =	simm.s32 @!p2 $0x0  }
0x1d: {  	s5 =	simm.s32 @p1 $0x1;
	p0 =	seq.s32 s7, s2  }
0x1e: {  	s7 =	smul.u32 @!p0 $0xF7A, s2;
	p2 =	seq.s32 @!p0 s5, $0x0  }
0x1f: {  	s9 =	smul.u32 $0xF7A, s1;
	s8 =	simm.s32 @!p0 $0x1BF5;
	p2 =	por !p2, p0  }
0x20: {  	[sflag:s8] =	ssyncset.s32 @!p0 $0xFFFFF086;
	s6 =	sadd.s32 @!p0 s3, s7;
	s7 =	simm.s32 @!p0 $0x108  }
0x21: {  	s3 =	sadd.s32 s3, s9;
	s6 =	sadd.s32 @!p0 $0x88, s6;
	s7 =	simm.s32 @p2 $0x1082  }
0x22: {  	[simem:s7], [sflag:s8] =	dma.local @!p0 [hbm:s6], $0xF7A  }
0x23: {  	s9 =	sor.u32 $0xD0000000, s2;
	s6 =	simm.s32 $0x108;
	_ =	swait.ge @!p0 [sflag:s8], $0x0  }
0x24: {  	s3 =	sadd.s32 $0x88, s3;
	s6 =	simm.s32 @!p1 $0x1082;
	[sflag:s4] =	ssyncset.s32 $0xFFFFF086  }
0x25: {  	[simem:s6], [sflag:s4] =	dma.local [hbm:s3], $0xF7A  }
0x26: {  	[smem:$0x3F9F] =	sst s1;
	(tag) =	ssettag s2;
	_ =	strace s9  }
0x27: {  	s1 =	sld [smem:$0x3FAF]  }
0x28: {  	s2 =	sld [smem:$0x3FB0]  }
0x29: {  	s4 =	sld [smem:$0x3FB2]  }
0x2a: {  	p0 =	seq.s32 s5, $0x0;
	s5 =	sld [smem:$0x3FB3]  }
0x2b: {  	s6 =	sld [smem:$0x3FB4]  }
0x2c: {  	s7 =	sld [smem:$0x3FB5]  }
0x2d: {  	s3 =	simm.s32 $0x108;
	s8 =	sld [smem:$0x3FB6]  }
0x2e: {  	s3 =	simm.s32 @!p0 $0x1082;
	s9 =	sld [smem:$0x3FB7]  }
0x2f: {  	lr =	sadd.s32 s0, s3;
	s0 =	sld [smem:$0x3FAE]  }
0x30: {  	s3 =	sld [smem:$0x3FB1]  }
0x31: {  	[smem:$0x3FBA] =	sst s10  }
0x32: {  	s10 =	sld [smem:$0x3FB8];
	_ =	sdelay $0x3  }
0x33: {  	p0 =	seq.s32 s10, $0x1;
	s10 =	sld [smem:$0x3FBA];
	_ =	sdelay $0x3  }
0x34: {  	[smem:$0x3FBA] =	sst s10  }
0x35: {  	s10 =	sld [smem:$0x3FB9];
	_ =	sdelay $0x3  }
0x36: {  	p1 =	seq.s32 s10, $0x1;
	s10 =	sld [smem:$0x3FBA];
	_ =	sdelay $0x3  }
0x37: {  	[smem:$0x3FBA] =	sst s10  }
0x38: {  	s10 =	sld [smem:$0x3FBB]  }
0x39: {  	_ = 	snop;
	(pc) =	sbr.ind lr, $3  }
0x3a: {  	_ = 	snop  }
0x3b: {  	_ = 	snop  }
0x3c: {  	p2 =	seq.s32 s10, $0x1;
	s10 =	sld [smem:$0x3FBA]  }
0x3d: {  	_ =	shalt  }
0x3e: {  	_ =	shalt  }
0x3f: {  	_ =	shalt  }
0x40: {  	_ =	shalt  }
0x41: {  	_ =	shalt  }
0x42: {  	_ =	shalt  }
0x43: {  	_ =	shalt  }
0x44: {  	_ =	shalt  }
0x45: {  	_ =	shalt  }
0x46: {  	_ =	shalt  }
0x47: {  	_ =	shalt  }
0x48: {  	_ =	shalt  }
0x49: {  	_ =	shalt  }
0x4a: {  	_ =	shalt  }
0x4b: {  	_ =	shalt  }
0x4c: {  	_ =	shalt  }
0x4d: {  	_ =	shalt  }
0x4e: {  	_ =	shalt  }
0x4f: {  	_ =	shalt  }
0x50: {  	_ =	shalt  }
0x51: {  	_ =	shalt  }
0x52: {  	_ =	shalt  }
0x53: {  	_ =	shalt  }
0x54: {  	_ =	shalt  }
0x55: {  	_ =	shalt  }
0x56: {  	_ =	shalt  }
0x57: {  	_ =	shalt  }
0x58: {  	_ =	shalt  }
0x59: {  	_ =	shalt  }
0x5a: {  	_ =	shalt  }
0x5b: {  	_ =	shalt  }
0x5c: {  	_ =	shalt  }
0x5d: {  	_ =	shalt  }
0x5e: {  	_ =	shalt  }
0x5f: {  	_ =	shalt  }
0x60: {  	_ =	shalt  }
0x61: {  	_ =	shalt  }
0x62: {  	_ =	shalt  }
0x63: {  	_ =	shalt  }
0x64: {  	_ =	shalt  }
0x65: {  	_ =	shalt  }
0x66: {  	_ =	shalt  }
0x67: {  	_ =	shalt  }
0x68: {  	_ =	shalt  }
0x69: {  	_ =	shalt  }
0x6a: {  	_ =	shalt  }
0x6b: {  	_ =	shalt  }
0x6c: {  	_ =	shalt  }
0x6d: {  	_ =	shalt  }
0x6e: {  	_ =	shalt  }
0x6f: {  	_ =	shalt  }
0x70: {  	_ =	shalt  }
0x71: {  	_ =	shalt  }
0x72: {  	_ =	shalt  }
0x73: {  	_ =	shalt  }
0x74: {  	_ =	shalt  }
0x75: {  	_ =	shalt  }
0x76: {  	_ =	shalt  }
0x77: {  	_ =	shalt  }
0x78: {  	_ =	shalt  }
0x79: {  	_ =	shalt  }
0x7a: {  	_ =	shalt  }
0x7b: {  	_ =	shalt  }
0x7c: {  	_ =	shalt  }
0x7d: {  	_ =	shalt  }
0x7e: {  	_ =	shalt  }
0x7f: {  	_ =	shalt  }
0x80: {  	_ =	shalt  }
0x81: {  	_ =	shalt  }
0x82: {  	_ =	shalt  }
0x83: {  	_ =	shalt  }
0x84: {  	_ =	shalt  }
0x85: {  	_ =	shalt  }
0x86: {  	_ =	shalt  }
0x87: {  	_ =	shalt  }
.Lfunc_end0:
.L_simem_size_0:
called_computation_lowered:
.L_overlay_start_0:
0x88: {  	s2 =	sld [smem:$0x3FD9]  }
0x89: {  	s3 =	sld [smem:$0x3FFE];
	_ =	sdelay $0x1  }
0x8a: {  	s1 =	srdreg.scid  }
0x8b: {  	s0 =	sand.u32 $0x1, s1  }
0x8c: {  	s18 =	sshll.u32 s0, $0xA;
	s2 =	sadd.s32 s3, s2  }
0x8d: {  	s2 =	sadd.s32 s2, s18  }
0x8e: {  	[smem:$0x3FC6] =	sst s2  }
0x8f: {  	_ = 	snop  }
0x90: {  	s2 =	sld [smem:$0x3FC9]  }
0x91: {  	s19 =	sld [smem:$0x3FC8]  }
0x92: {  	s4 =	sld [smem:$0x3FD0];
	(tm) =	ssettm $0x1  }
0x93: {  	s5 =	sld [smem:$0x3FFB];
	_ =	sdelay $0x3  }
0x94: {  	_ =	strace s5  }
0x95: {  	s5 =	sld [smem:$0x3FFC];
	_ =	sdelay $0x3  }
0x96: {  	_ =	strace s5  }
0x97: {  	s5 =	sld [smem:$0x3FFD];
	_ =	sdelay $0x3  }
0x98: {  	_ =	strace s5  }
0x99: {  	_ =	strace $0x8FFFFFFF  }
0x9a: {  	s20 =	sld [smem:$0x3FDB];
	_ =	sdelay $0x1  }
0x9b: {  	s6 =	simm.s32 $_scs_section_size  }
0x9c: {  	s7 =	simm.s32 $_size__tile_overlayer_lowered;
	s8 =	simm.s32 $_tile_overlayer_lowered  }
0x9d: {  	s23 =	simm.s32 $0x1BFF;
	s22 =	sshll.u32 s8, $0x1;
	s5 =	sadd.s32 s6, s20  }
0x9e: {  	s9 =	simm.s32 $0x0;
	s21 =	sshll.u32 s7, $0x1;
	s7 =	sadd.s32 s22, s5  }
0x9f: {  	[timem:s9], [sflag:s23] =	dma.local [hbm:s7], s21  }
0xa0: {  	_ =	swait.ge [sflag:s23], s21  }
0xa1: {  	s6 =	ssub.s32 $0x0, s21;
	[sflag:s23] =	ssyncset.done $0x0  }
0xa2: {  	[sflag:s23] =	ssyncadd.s32 s6;
	_ =	sdelay $0x1  }
0xa3: {  	s24 =	simm.s32 $0x1B8B  }
0xa4: {  	_ =	swait.ge [sflag:s24], $0x1  }
0xa5: {  	[sflag:s24] =	ssyncset.done $0x0  }
0xa6: {  	s25 =	simm.s32 $0x1B8E;
	[sflag:s24] =	ssyncadd.s32 $0xFFFFFFFF  }
0xa7: {  	s26 =	simm.s32 $execute0_lowered;
	[smem:$0x3FD2] =	sst s25  }
0xa8: {  	s6 =	sshll.u32 s26, $0x1;
	_ =	strace $0x80000046;
	[dreg:$0x1] =	wrdreg $0xFFFFFFFF  }
0xa9: {  	s28 =	simm.s32 $_size_execute0_lowered;
	s5 =	sadd.s32 s5, s6;
	[dreg:$0x0] =	wrdreg $0x0  }
0xaa: {  	s6 =	sshll.u32 s28, $0x1;
	[dreg:$0x2] =	wrdreg s5  }
0xab: {  	[dreg:$0x3] =	wrdreg s6  }
0xac: {  	[dreg:$0x4] =	wrdreg $0xC0  }
0xad: {  	_ =	task [dreg:s9], $0x5FFFF  }
0xae: {  	[dreg:$0x1] =	wrdreg $0xFFFFFFFF  }
0xaf: {  	[dreg:$0x0] =	wrdreg $0x60  }
0xb0: {  	[dreg:$0x2] =	wrdreg s2  }
0xb1: {  	[dreg:$0x3] =	wrdreg s19  }
0xb2: {  	[dreg:$0x4] =	wrdreg s4  }
0xb3: {  	[dreg:$0x5] =	wrdreg $0x9  }
0xb4: {  	_ =	task.clear_ibuf [dreg:s9], $0x6FFFF;
	_ =	strace $0x90000046  }
0xb5: {  	s29 =	simm.s32 $0x9;
	_ =	strace $0x80000048  }
0xb6: {  	_ =	swait.ge [sflag:s29], $0x1  }
0xb7: {  	[sflag:s29] =	ssyncadd.s32 $0xFFFFFFFF  }
0xb8: {  	_ =	strace $0x90000048  }
0xb9: {  	_ =	sfence  }
0xba: {  	s30 =	sld [smem:$0x0];
	_ =	sdelay $0x2  }
0xbb: {  	s31 =	sshll.u32 s1, $0xD;
	s1 =	sshrl.u32 s1, $0x2  }
0xbc: {  	s3 =	sand.u32 $0x4000, s31;
	s1 =	sadd.s32 s1, s30  }
0xbd: {  	s0 =	sor.u32 s3, s0;
	s1 =	sshll.u32 s1, $0x11  }
0xbe: {  	s0 =	sor.u32 s1, s0  }
0xbf: {  	s0 =	sadd.s32 $0x8F2B, s0  }
0xc0: {  	[sflag:s0] =	ssyncadd.remote.s32 $0x1  }
0xc1: {  	_ =	sfence.sel $0xFFFF  }
0xc2: {  	[dreg:$0x0] =	wrdreg $0xFFFFFFFF;
	(pc) =	sbr.abs _section_cstart, $3  }
0xc3: {  	[dreg:$0x1] =	wrdreg $0xFFFFFFFF  }
0xc4: {  	_ =	task.clear_ibuf [dreg:s9], $0x2FFFF;
	_ =	strace $0x9FFFFFFF  }
0xc5: {  	(tm) =	ssettm $0x7FFFFFFF  }
tec
execute0_lowered:
.L_overlay_start_1:
0x0: {  	(tag) =	ssettag $0x1  }
0x1: {  	s0 =	rddreg [dreg:$0x0]  }
0x2: {  	s1 =	rddreg [dreg:$0x1]  }
0x3: {  	s2 =	srdreg.scid;
	s11 =	stileid.u32  }
0x4: {  	s10 =	rddreg [dreg:$0x2];
	s15 =	simm.s32 $0x100;
	s16 =	simm.s32 $0x3  }
0x5: {  	s28 =	simm.s32 $0x5900;
	s29 =	simm.s32 $0x6100;
	s30 =	simm.s32 $0x6900  }
0x6: {  	s31 =	simm.s32 $0x7100;
	s14 =	simm.s32 $0x2;
	s17 =	simm.s32 $0x0  }
0x7: {  	s2 =	sand.u32 $0x1, s2;
	s3 =	sshll.u32 s11, $0xA;
	s9 =	sshrl.u32 s11, $0x3  }
0x8: {  	s7 =	sadd.s32 $0x300, s1;
	s8 =	sadd.s32 $0x400, s1;
	s11 =	sand.u32 $0x7, s11  }
0x9: {  	s3 =	sand.u32 $0x1C00, s3;
	s4 =	sshll.u32 s2, $0x9;
	s5 =	sshll.u32 s9, $0x7  }
0xa: {  	s6 =	ssub.s32 $0x2, s2;
	s26 =	sshll.u32 s9, $0x14;
	s9 =	sadd.s32 $0x500, s1  }
0xb: {  	s11 =	sshll.u32 s11, $0x11;
	s2 =	sshll.u32 s2, $0x10;
	s4 =	sor.u32 s3, s4  }
0xc: {  	s3 =	simm.s32 $0x0;
	s25 =	sshrl.u32 s6, $0x1;
	s4 =	sor.u32 s5, s4  }
0xd: {  	[smem:$0x7FF] =	sst s3;
	s12 =	ssub.s32 s6, s25;
	s5 =	sadd.s32 $0x100, s1  }
.Ltmp0:
0xe: {  	s6 =	sadd.s32 $0x200, s1;
	s25 =	simm.s32 $0x4900;
	(pc) =	sbr.rel .LBB2_1-.Ltmp0, $4  }
0xf: {  	s4 =	sshrl.u32 s4, $0x3;
	_ =	strace $0x80000047;
	s12 =	smax.u32 s12, $0x1  }
0x10: {  	v0 =	vlaneseq.u32;
	s4 =	sadd.s32 s0, s4;
	s0 =	sadd.s32 s26, s10;
	s10 =	sadd.s32 $0x600, s1  }
0x11: {  	v1 =	vshrl.u32 v0, $0x3;
	s26 =	simm.s32 $0x5100;
	s0 =	sadd.s32 s11, s0;
	s11 =	sadd.s32 $0x700, s1  }
0x12: {  	vm0 =	vmmov $0xffff;
	v0 =	vand.u32 $0x7, v0;
	v1 =	vmul.u32 $0x8, v1;
	s19 =	sadd.s32 s2, s0;
	s2 =	simm.s32 $0x7900;
	s0 =	simm.s32 $0x1  }
.LBB2_5:
0x13: {  	s17 =	sadd.s32 $0x1, s17  }
0x14: {  	_ =	swait.ge [sflag:s14], $0x8000;
	p0 =	sne.s32 s17, s12  }
.Ltmp1:
0x15: {  	[sflag:s14] =	ssyncset.done $0x0;
	(pc) =	sbr.rel @!p0 .LBB2_6-.Ltmp1, $4  }
0x16: {  	[sflag:s14] =	ssyncadd.s32 $0xFFFF8000  }
0x17: {  	_ =	swait.ge [sflag:s14], $0x8000  }
0x18: {  	[sflag:s14] =	ssyncset.done $0x0  }
0x19: {  	[sflag:s14] =	ssyncadd.s32 $0xFFFF8000  }
.LBB2_1:
0x1a: {  	s13 =	simm.s32 $0x80  }
0x1b: {  	[tilespmem:s3], [sflag:$0x3] =	stream.strided.gather [hbm4b:s4+s13], $0x100, s15, s13, $0x38;
	[tilespmem:$0x18100] =	vst v63  }
0x1c: {  	_ =	swait.ge [sflag:s16], $0x100  }
0x1d: {  	[sflag:s16] =	ssyncset.done $0x0  }
0x1e: {  	[sflag:s16] =	ssyncadd.s32 $0xFFFFFF00  }
0x1f: {  	v2 =	vld.msk [tilespmem:$0x0], $0xff;
	_ =	sdelay $0x4  }
0x20: {  	v3 =	vshll.u32 v2, $0x4  }
0x21: {  	v2 =	vand.u32 $0x7, v2;
	v3 =	vand.u32 $0xFFFFFF80, v3  }
0x22: {  	v2 =	vor.u32 v2, v3  }
0x23: {  	v2 =	vperm.xlane v2, v0;
	_ =	sdelay $0x1  }
0x24: {  	v2 =	vadd.s32 v1, v2;
	_ =	sdelay $0x4  }
0x25: {  	[tilespmem:s15], [sflag:$0x1] =	stream.indirect_vreg.gather [hbm4b:s1+s3], $0x80, v2, vm0, $0xb8;
	[tilespmem:$0x18100] =	vst v63  }
0x26: {  	s23 =	simm.s32 $0x900  }
0x27: {  	[tilespmem:s23], [sflag:$0x1] =	stream.indirect_vreg.gather [hbm4b:s5+s3], $0x80, v2, vm0, $0xb8;
	[tilespmem:$0x18100] =	vst v63  }
0x28: {  	s24 =	simm.s32 $0x1100  }
0x29: {  	[tilespmem:s24], [sflag:$0x1] =	stream.indirect_vreg.gather [hbm4b:s6+s3], $0x80, v2, vm0, $0xb8;
	[tilespmem:$0x18100] =	vst v63  }
0x2a: {  	s18 =	simm.s32 $0x1900  }
0x2b: {  	[tilespmem:s18], [sflag:$0x1] =	stream.indirect_vreg.gather [hbm4b:s7+s3], $0x80, v2, vm0, $0xb8;
	[tilespmem:$0x18100] =	vst v63  }
0x2c: {  	s20 =	simm.s32 $0x2100  }
0x2d: {  	[tilespmem:s20], [sflag:$0x1] =	stream.indirect_vreg.gather [hbm4b:s8+s3], $0x80, v2, vm0, $0xb8;
	[tilespmem:$0x18100] =	vst v63  }
0x2e: {  	s21 =	simm.s32 $0x2900  }
0x2f: {  	[tilespmem:s21], [sflag:$0x1] =	stream.indirect_vreg.gather [hbm4b:s9+s3], $0x80, v2, vm0, $0xb8;
	[tilespmem:$0x18100] =	vst v63  }
0x30: {  	s22 =	simm.s32 $0x3100  }
0x31: {  	[tilespmem:s22], [sflag:$0x1] =	stream.indirect_vreg.gather [hbm4b:s10+s3], $0x80, v2, vm0, $0xb8;
	[tilespmem:$0x18100] =	vst v63  }
0x32: {  	s23 =	simm.s32 $0x3900  }
0x33: {  	[tilespmem:s23], [sflag:$0x1] =	stream.indirect_vreg.gather [hbm4b:s11+s3], $0x80, v2, vm0, $0xb8;
	[tilespmem:$0x18100] =	vst v63  }
0x34: {  	v2 =	vld.msk [tilespmem:$0x8], $0xff;
	_ =	sdelay $0x4  }
0x35: {  	v3 =	vshll.u32 v2, $0x4  }
0x36: {  	v2 =	vand.u32 $0x7, v2;
	v3 =	vand.u32 $0xFFFFFF80, v3  }
0x37: {  	v2 =	vor.u32 v2, v3  }
0x38: {  	v2 =	vperm.xlane v2, v0;
	_ =	sdelay $0x1  }
0x39: {  	v2 =	vadd.s32 v1, v2;
	_ =	sdelay $0x3  }
0x3a: {  	s24 =	simm.s32 $0x4100  }
0x3b: {  	[tilespmem:s24], [sflag:$0x1] =	stream.indirect_vreg.gather [hbm4b:s1+s3], $0x80, v2, vm0, $0xb8;
	[tilespmem:$0x18100] =	vst v63  }
0x3c: {  	_ = 	snop  }
0x3d: {  	[tilespmem:s25], [sflag:$0x1] =	stream.indirect_vreg.gather [hbm4b:s5+s3], $0x80, v2, vm0, $0xb8;
	[tilespmem:$0x18100] =	vst v63  }
0x3e: {  	_ = 	snop  }
0x3f: {  	[tilespmem:s26], [sflag:$0x1] =	stream.indirect_vreg.gather [hbm4b:s6+s3], $0x80, v2, vm0, $0xb8;
	[tilespmem:$0x18100] =	vst v63  }
0x40: {  	_ = 	snop  }
0x41: {  	[tilespmem:s28], [sflag:$0x1] =	stream.indirect_vreg.gather [hbm4b:s7+s3], $0x80, v2, vm0, $0xb8;
	[tilespmem:$0x18100] =	vst v63  }
0x42: {  	_ = 	snop  }
0x43: {  	[tilespmem:s29], [sflag:$0x1] =	stream.indirect_vreg.gather [hbm4b:s8+s3], $0x80, v2, vm0, $0xb8;
	[tilespmem:$0x18100] =	vst v63  }
0x44: {  	_ = 	snop  }
0x45: {  	[tilespmem:s30], [sflag:$0x1] =	stream.indirect_vreg.gather [hbm4b:s9+s3], $0x80, v2, vm0, $0xb8;
	[tilespmem:$0x18100] =	vst v63  }
.Ltmp2:
0x46: {  	_ = 	snop;
	(pc) =	sbr.rel .LBB2_2-.Ltmp2, $4  }
0x47: {  	s13 =	smov.u32 s19  }
0x48: {  	[tilespmem:s31], [sflag:$0x1] =	stream.indirect_vreg.gather [hbm4b:s10+s3], $0x80, v2, vm0, $0xb8;
	[tilespmem:$0x18100] =	vst v63  }
0x49: {  	s18 =	simm.s32 $0x18;
	s20 =	simm.s32 $0x0;
	s21 =	simm.s32 $0x0  }
0x4a: {  	[tilespmem:s2], [sflag:$0x1] =	stream.indirect_vreg.gather [hbm4b:s11+s3], $0x80, v2, vm0, $0xb8;
	[tilespmem:$0x18100] =	vst v63  }
.LBB2_4:
0x4b: {  	_ =	swait.ge [sflag:s0], $0x4000  }
0x4c: {  	s20 =	sadd.s32 $0x2, s20;
	[sflag:s0] =	ssyncset.done $0x0  }
0x4d: {  	p0 =	sne.s32 s20, $0x20;
	[sflag:s0] =	ssyncadd.s32 $0xFFFFC000  }
.Ltmp3:
0x4e: {  	_ =	swait.ge [sflag:s0], $0x4000;
	(pc) =	sbr.rel @!p0 .LBB2_5-.Ltmp3, $4  }
0x4f: {  	s22 =	sshrl.u32 s22, $0x2;
	[sflag:s0] =	ssyncset.done $0x0  }
0x50: {  	s22 =	sadd.s32 $0x100, s22;
	[sflag:s0] =	ssyncadd.s32 $0xFFFFC000  }
0x51: {  	[hbm4b:s13+s3] =	stream.linear.scatter [tilespmem:s22], [sflag:$0x2], $0x8000, $0x38;
	[tilespmem:$0x18100] =	vst v63  }
0x52: {  	s21 =	sadd.s32 $0x1, s21;
	s18 =	sadd.s32 $0x10, s18;
	s13 =	sadd.s32 $0x1000, s13  }
.LBB2_2:
0x53: {  	p0 =	slt.u32 s21, $0x2  }
0x54: {  	p1 =	seq.s32 @!p0 s20, $0x1E  }
0x55: {  	p1 =	por p0, !p1  }
.Ltmp4:
0x56: {  	_ = 	snop;
	(pc) =	sbr.rel @!p1 .LBB2_4-.Ltmp4, $4  }
0x57: {  	s22 =	simm.s32 @!p0 $0x2  }
0x58: {  	_ =	swait.ge @!p0 [sflag:s22], $0x8000  }
0x59: {  	[sflag:s22] =	ssyncset.done @!p0 $0x0  }
0x5a: {  	[sflag:s22] =	ssyncadd.s32 @!p0 $0xFFFF8000;
	s22 =	simm.s32 @!p0 $0x0  }
0x5b: {  	v2 =	vld.msk [tilespmem:s18+$0xFFFFFFF8], $0xff;
	_ =	sdelay $0x2  }
0x5c: {  	s22 =	smul.u32 $0xAB, s20;
	_ =	sdelay $0x1  }
0x5d: {  	s23 =	sadd.s32 $0x156, s22;
	v3 =	vshll.u32 v2, $0x4  }
0x5e: {  	s23 =	sshrl.u32 s23, $0xA;
	v2 =	vand.u32 $0x7, v2;
	v3 =	vand.u32 $0xFFFFFF80, v3  }
0x5f: {  	s23 =	sand.u32 $0x3F, s23;
	v2 =	vor.u32 v2, v3  }
0x60: {  	s23 =	smul.u32 $0x6, s23;
	v2 =	vperm.xlane v2, v0;
	_ =	sdelay $0x1  }
0x61: {  	s23 =	ssub.s32 s20, s23;
	v2 =	vadd.s32 v1, v2  }
0x62: {  	s23 =	sadd.s32 $0x2, s23  }
0x63: {  	s23 =	sand.u32 $0xFF, s23  }
0x64: {  	s23 =	sshll.u32 s23, $0xE  }
0x65: {  	s24 =	sor.u32 $0x100, s23  }
0x66: {  	[tilespmem:s24], [sflag:$0x1] =	stream.indirect_vreg.gather [hbm4b:s1+s3], $0x80, v2, vm0, $0xb8;
	[tilespmem:$0x18100] =	vst v63  }
0x67: {  	s24 =	sor.u32 $0x900, s23  }
0x68: {  	[tilespmem:s24], [sflag:$0x1] =	stream.indirect_vreg.gather [hbm4b:s5+s3], $0x80, v2, vm0, $0xb8;
	[tilespmem:$0x18100] =	vst v63  }
0x69: {  	s24 =	sor.u32 $0x1100, s23  }
0x6a: {  	[tilespmem:s24], [sflag:$0x1] =	stream.indirect_vreg.gather [hbm4b:s6+s3], $0x80, v2, vm0, $0xb8;
	[tilespmem:$0x18100] =	vst v63  }
0x6b: {  	s24 =	sor.u32 $0x1900, s23  }
0x6c: {  	[tilespmem:s24], [sflag:$0x1] =	stream.indirect_vreg.gather [hbm4b:s7+s3], $0x80, v2, vm0, $0xb8;
	[tilespmem:$0x18100] =	vst v63  }
0x6d: {  	s24 =	sor.u32 $0x2100, s23  }
0x6e: {  	[tilespmem:s24], [sflag:$0x1] =	stream.indirect_vreg.gather [hbm4b:s8+s3], $0x80, v2, vm0, $0xb8;
	[tilespmem:$0x18100] =	vst v63  }
0x6f: {  	s24 =	sor.u32 $0x2900, s23  }
0x70: {  	[tilespmem:s24], [sflag:$0x1] =	stream.indirect_vreg.gather [hbm4b:s9+s3], $0x80, v2, vm0, $0xb8;
	[tilespmem:$0x18100] =	vst v63  }
0x71: {  	s24 =	sor.u32 $0x3100, s23  }
0x72: {  	[tilespmem:s24], [sflag:$0x1] =	stream.indirect_vreg.gather [hbm4b:s10+s3], $0x80, v2, vm0, $0xb8;
	[tilespmem:$0x18100] =	vst v63  }
0x73: {  	s23 =	sor.u32 $0x3900, s23  }
0x74: {  	[tilespmem:s23], [sflag:$0x1] =	stream.indirect_vreg.gather [hbm4b:s11+s3], $0x80, v2, vm0, $0xb8;
	[tilespmem:$0x18100] =	vst v63  }
0x75: {  	v2 =	vld.msk [tilespmem:s18+$0x0], $0xff;
	_ =	sdelay $0x4  }
0x76: {  	s24 =	sadd.s32 $0x201, s22;
	v3 =	vshll.u32 v2, $0x4  }
0x77: {  	s23 =	sshrl.u32 s24, $0xA;
	v2 =	vand.u32 $0x7, v2;
	v3 =	vand.u32 $0xFFFFFF80, v3  }
0x78: {  	s23 =	sand.u32 $0x3F, s23;
	v2 =	vor.u32 v2, v3  }
0x79: {  	s23 =	smul.u32 $0x6, s23;
	v2 =	vperm.xlane v2, v0;
	_ =	sdelay $0x1  }
0x7a: {  	s23 =	ssub.s32 s20, s23;
	v2 =	vadd.s32 v1, v2  }
0x7b: {  	s23 =	sadd.s32 $0x3, s23  }
0x7c: {  	s23 =	sand.u32 $0xFF, s23  }
0x7d: {  	s23 =	sshll.u32 s23, $0xE  }
0x7e: {  	s24 =	sor.u32 $0x100, s23  }
0x7f: {  	[tilespmem:s24], [sflag:$0x1] =	stream.indirect_vreg.gather [hbm4b:s1+s3], $0x80, v2, vm0, $0xb8;
	[tilespmem:$0x18100] =	vst v63  }
0x80: {  	s24 =	sor.u32 $0x900, s23  }
0x81: {  	[tilespmem:s24], [sflag:$0x1] =	stream.indirect_vreg.gather [hbm4b:s5+s3], $0x80, v2, vm0, $0xb8;
	[tilespmem:$0x18100] =	vst v63  }
0x82: {  	s24 =	sor.u32 $0x1100, s23  }
0x83: {  	[tilespmem:s24], [sflag:$0x1] =	stream.indirect_vreg.gather [hbm4b:s6+s3], $0x80, v2, vm0, $0xb8;
	[tilespmem:$0x18100] =	vst v63  }
0x84: {  	s22 =	sshrl.u32 s22, $0xA;
	s24 =	sor.u32 $0x1900, s23  }
0x85: {  	[tilespmem:s24], [sflag:$0x1] =	stream.indirect_vreg.gather [hbm4b:s7+s3], $0x80, v2, vm0, $0xb8;
	[tilespmem:$0x18100] =	vst v63  }
0x86: {  	s22 =	sand.u32 $0x3F, s22;
	s24 =	sor.u32 $0x2100, s23  }
0x87: {  	[tilespmem:s24], [sflag:$0x1] =	stream.indirect_vreg.gather [hbm4b:s8+s3], $0x80, v2, vm0, $0xb8;
	[tilespmem:$0x18100] =	vst v63  }
0x88: {  	s22 =	smul.u32 $0x6, s22;
	s24 =	sor.u32 $0x2900, s23  }
0x89: {  	[tilespmem:s24], [sflag:$0x1] =	stream.indirect_vreg.gather [hbm4b:s9+s3], $0x80, v2, vm0, $0xb8;
	[tilespmem:$0x18100] =	vst v63  }
.Ltmp5:
0x8a: {  	s22 =	ssub.s32 s20, s22;
	(pc) =	sbr.rel .LBB2_4-.Ltmp5, $4  }
0x8b: {  	s22 =	sand.u32 $0xFF, s22;
	s24 =	sor.u32 $0x3100, s23  }
0x8c: {  	[tilespmem:s24], [sflag:$0x1] =	stream.indirect_vreg.gather [hbm4b:s10+s3], $0x80, v2, vm0, $0xb8;
	[tilespmem:$0x18100] =	vst v63  }
0x8d: {  	s22 =	sshll.u32 s22, $0x10;
	s23 =	sor.u32 $0x3900, s23  }
0x8e: {  	[tilespmem:s23], [sflag:$0x1] =	stream.indirect_vreg.gather [hbm4b:s11+s3], $0x80, v2, vm0, $0xb8;
	[tilespmem:$0x18100] =	vst v63  }
.LBB2_6:
0x8f: {  	_ =	sfence.sel $0x180000  }
0x90: {  	[bflag:$0x0] =	sbarrier.arrive $0xFFFF  }
0x91: {  	_ =	strace $0x90000047  }
0x92: {  	s0 =	stileid.u32;
	[bflag:$0x2] =	sbarrier.arrive $0xFFFF  }
0x93: {  	p0 =	sne.s32 s0, $0x0;
	s0 =	rddreg [dreg:$0x3]  }
0x94: {  	s0 =	sadd.s32 @!p0 $0x100000, s0  }
0x95: {  	[sflag:s0] =	ssyncadd.tile.s32 @!p0 $0x1;
	_ =	shalt  }
.Lfunc_end2:
_tile_overlayer_lowered:
.L_overlay_start_2:
0x96: {  	(tag) =	ssettag $0x2  }
0x97: {  	s0 =	rddreg [dreg:$0x0];
	s2 =	stileid.u32  }
0x98: {  	s1 =	rddreg [dreg:$0x1];
	p0 =	sne.s32 s2, $0x0  }
0x99: {  	s3 =	rddreg [dreg:$0x2];
	[bflag:$0x3] =	sbarrier.arrive $0xFFFF;
	s2 =	simm.s32 @!p0 $0x1C03  }
0x9a: {  	[timem:s3], [sflag:s2] =	dma.local @!p0 [hbm:s0], s1  }
0x9b: {  	s0 =	simm.s32 @!p0 $0x3  }
0x9c: {  	_ =	swait.ge @!p0 [sflag:s0], s1  }
0x9d: {  	s1 =	ssub.s32 @!p0 $0x0, s1;
	[sflag:s0] =	ssyncset.done @!p0 $0x0  }
0x9e: {  	[sflag:s0] =	ssyncadd.s32 @!p0 s1  }
0x9f: {  	[bflag:$0x3] =	sbarrier.arrive $0xFFFF  }
0xa0: {  	_ =	shalt  }

</sc_bundles>
